<compile_context>
chip_gen: v7x
topology: tpu7x:2x2x1
jax: 0.10.2.dev20260603
libtpu: 0.0.44.dev20260713+nightly
codegen_flags: <defaults>
</compile_context>

<pallas_src>
import functools

import jax
import jax.numpy as jnp
from jax import lax
from jax.experimental import pallas as pl
from jax.experimental.pallas import tpu as pltpu
from jax.experimental.pallas import tpu_sc as plsc

B = 16384
N_DOMAINS = 8
L = 16
NC = 1
NS = 16
NW = NC * NS
CHUNK = B // NW
NVEC = CHUNK // L


def _softplus_table(rw_vec, tmp_ref):
    lane = lax.iota(jnp.int32, L)
    valid = lane < N_DOMAINS
    x = jnp.where(valid, rw_vec, 0.0)
    a = 1.0 + jnp.exp(x)
    y = jnp.maximum(x, 0.0)
    for _ in range(5):
        y = y + (a * jnp.exp(-y) - 1.0)
    w = jnp.where(valid, y, 0.0)
    s = w
    for shift in (1, 2, 4):
        tmp_ref[...] = s
        s = s + plsc.load_gather(tmp_ref, [lane ^ shift])
    mean = jnp.where(valid, s, 1.0) * (1.0 / N_DOMAINS)
    return w / mean


def _make_sc_call():
    mesh = plsc.VectorSubcoreMesh(core_axis_name="c", subcore_axis_name="s", num_cores=1)

    @functools.partial(
        pl.kernel,
        mesh=mesh,
        out_type=jax.ShapeDtypeStruct((B,), jnp.float32),
        compiler_params=pltpu.CompilerParams(
            needs_layout_passes=False,
            skip_device_barrier=True,
            disable_bounds_checks=True,
            disable_semaphore_checks=True,
        ),
        scratch_types=[
            pltpu.VMEM((L,), jnp.float32),
            pltpu.VMEM((L,), jnp.float32),
            pltpu.VMEM((CHUNK,), jnp.int32),
            pltpu.VMEM((CHUNK,), jnp.float32),
            pltpu.SemaphoreType.DMA,
        ],
    )
    def sc_kernel(idx_hbm, rew_hbm, rw_hbm, out_hbm, tab_v, tmp_v,
                  idx_v, rew_v, sem):
        wid = lax.axis_index("s") * NC + lax.axis_index("c")
        base = wid * CHUNK
        cp_t = pltpu.async_copy(rw_hbm, tab_v.at[pl.ds(0, N_DOMAINS)], sem)
        cp_i = pltpu.async_copy(idx_hbm.at[pl.ds(base, CHUNK)], idx_v, sem)
        cp_r = pltpu.async_copy(rew_hbm.at[pl.ds(base, CHUNK)], rew_v, sem)
        cp_t.wait()
        tab_v[...] = _softplus_table(tab_v[...], tmp_v)
        cp_i.wait()
        cp_r.wait()

        @plsc.parallel_loop(0, CHUNK, step=L, unroll=8)
        def body(i):
            sl = pl.ds(i, L)
            g = plsc.load_gather(tab_v, [idx_v[sl]])
            rew_v[sl] = rew_v[sl] * g
        pltpu.sync_copy(rew_v, out_hbm.at[pl.ds(base, CHUNK)])

    return sc_kernel


_sc_call = _make_sc_call()


def kernel(domain_indices, rewards, raw_weights):
    idx = domain_indices.astype(jnp.int32)
    rew = rewards.astype(jnp.float32)
    out = _sc_call(idx, rew, raw_weights.astype(jnp.float32))
    if rewards.ndim == 1:
        return out
    return out.reshape(rewards.shape)

# --- scband reference (transcript-rebuilt; emitter-appended) ---
"""Pipeline reference for scband-math-domain-table-40690520162657 (READ-ONLY COPY).

The authoritative reference and input builder live on the scoring server;
editing this copy changes nothing except your own understanding.
"""

import jax, jax.numpy as jnp
import numpy as np

B = 16384
N_DOMAINS = 8

def setup_inputs(seed: int = 0) -> dict:
    key = jax.random.key(seed)
    k1, k2 = jax.random.split(key)
    domain_indices = jax.random.randint(k1, (B,), 0, N_DOMAINS, dtype=jnp.int64) if jax.config.jax_enable_x64 else jax.random.randint(k1, (B,), 0, N_DOMAINS, dtype=jnp.int32)
    rewards = jax.random.normal(k2, (B,), dtype=jnp.float32)
    raw_weights = jnp.array([0.6, 1.3, 1.6, 1.4, 0.9, 1.2, 1.5, 1.1], dtype=jnp.float32)
    return {"domain_indices": domain_indices, "rewards": rewards, "raw_weights": raw_weights}

def reference(domain_indices, rewards, raw_weights):
    weights = jax.nn.softplus(raw_weights)
    normalized_weights = weights / jnp.mean(weights)
    batch_weights = jnp.take(normalized_weights, domain_indices, axis=0)
    if rewards.ndim == 1:
        return rewards * batch_weights
    else:
        return rewards * batch_weights.reshape(-1, 1)

if __name__ == "__main__":
    import jax
    _d = setup_inputs()
    print(jax.jit(kernel)(*tuple(_d.values())))

</pallas_src>

<mosaic_0001>
#map = affine_map<(d0, d1) -> (0)>
module attributes {stable_mosaic.version = 14 : i64} {
  func.func @sc_kernel(%arg0: i32, %arg1: i32, %arg2: memref<16384xi32, #tpu.memory_space<hbm>>, %arg3: memref<16384xf32, #tpu.memory_space<hbm>>, %arg4: memref<8xf32, #tpu.memory_space<hbm>>, %arg5: memref<16384xf32, #tpu.memory_space<hbm>>, %arg6: memref<16xf32, #tpu.memory_space<vmem>>, %arg7: memref<16xf32, #tpu.memory_space<vmem>>, %arg8: memref<1024xi32, #tpu.memory_space<vmem>>, %arg9: memref<1024xf32, #tpu.memory_space<vmem>>, %arg10: memref<!tpu.dma_semaphore, #tpu.memory_space<semaphore_mem>>) attributes {dimension_semantics = [#tpu.dimension_semantics<core_parallel>, #tpu.dimension_semantics<subcore_parallel>], iteration_bounds = array<i64: 1, 16>, scalar_prefetch = 0 : i64, scratch_operands = 5 : i64, tpu.core_type = #tpu.core_type<sc_vector_subcore>, window_params = [{transform_indices = #map}, {transform_indices = #map}, {transform_indices = #map}, {transform_indices = #map}]} {
    %mul3A = arith.constant 1 : i32
    %mul3A_0 = arith.muli %arg1, %mul3A : i32
    %add3A = arith.addi %mul3A_0, %arg0 : i32
    %mul3A_1 = arith.constant 1024 : i32
    %mul3A_2 = arith.muli %add3A, %mul3A_1 : i32
    %dma_start3A = arith.constant 0 : i32
    %dma_start3A_3 = tpu.memref_slice %arg6[%dma_start3A] : memref<16xf32, #tpu.memory_space<vmem>> -> memref<8xf32, #tpu.memory_space<vmem>>
    %dma_start3A_4 = arith.constant 0 : i32
    %dma_start3A_5 = tpu.memref_slice %arg6[%dma_start3A_4] : memref<16xf32, #tpu.memory_space<vmem>> -> memref<8xf32, #tpu.memory_space<vmem>>
    tpu.enqueue_dma source(%arg4 : memref<8xf32, #tpu.memory_space<hbm>>) target(%dma_start3A_5 : memref<8xf32, #tpu.memory_space<vmem>>) target_semaphore(%arg10 : memref<!tpu.dma_semaphore, #tpu.memory_space<semaphore_mem>>)
    %dma_start3A_6 = tpu.memref_slice %arg2[%mul3A_2] : memref<16384xi32, #tpu.memory_space<hbm>> -> memref<1024xi32, #tpu.memory_space<hbm>>
    %dma_start3A_7 = tpu.memref_slice %arg2[%mul3A_2] : memref<16384xi32, #tpu.memory_space<hbm>> -> memref<1024xi32, #tpu.memory_space<hbm>>
    tpu.enqueue_dma source(%dma_start3A_7 : memref<1024xi32, #tpu.memory_space<hbm>>) target(%arg8 : memref<1024xi32, #tpu.memory_space<vmem>>) target_semaphore(%arg10 : memref<!tpu.dma_semaphore, #tpu.memory_space<semaphore_mem>>)
    %dma_start3A_8 = tpu.memref_slice %arg3[%mul3A_2] : memref<16384xf32, #tpu.memory_space<hbm>> -> memref<1024xf32, #tpu.memory_space<hbm>>
    %dma_start3A_9 = tpu.memref_slice %arg3[%mul3A_2] : memref<16384xf32, #tpu.memory_space<hbm>> -> memref<1024xf32, #tpu.memory_space<hbm>>
    tpu.enqueue_dma source(%dma_start3A_9 : memref<1024xf32, #tpu.memory_space<hbm>>) target(%arg9 : memref<1024xf32, #tpu.memory_space<vmem>>) target_semaphore(%arg10 : memref<!tpu.dma_semaphore, #tpu.memory_space<semaphore_mem>>)
    %dma_wait3A = arith.constant 0 : i32
    %dma_wait3A_10 = tpu.memref_slice %arg6[%dma_wait3A] : memref<16xf32, #tpu.memory_space<vmem>> -> memref<8xf32, #tpu.memory_space<vmem>>
    %dma_wait3A_11 = arith.constant 0 : i32
    %dma_wait3A_12 = tpu.memref_slice %arg6[%dma_wait3A_11] : memref<16xf32, #tpu.memory_space<vmem>> -> memref<8xf32, #tpu.memory_space<vmem>>
    tpu.wait_dma2 semaphore(%arg10 : memref<!tpu.dma_semaphore, #tpu.memory_space<semaphore_mem>>) src(%arg4 : memref<8xf32, #tpu.memory_space<hbm>>) dst(%dma_wait3A_12 : memref<8xf32, #tpu.memory_space<vmem>>)
    %get3A = arith.constant 0 : index
    %get3A_13 = tpu.vector_load %arg6[%get3A] {strides = array<i32>} : memref<16xf32, #tpu.memory_space<vmem>>, vector<16xf32>,
    %iota3A = tpu.iota {dimensions = array<i32: 0>} : vector<16xi32>
    %lt3A = arith.constant 8 : i32
    %lt3A_14 = vector.broadcast %lt3A : i32 to vector<16xi32>
    %lt3A_15 = arith.cmpi slt, %iota3A, %lt3A_14 : vector<16xi32>
    %jit3A = arith.constant 0.000000e+00 : f32
    %broadcast_in_dim3A = vector.broadcast %jit3A : f32 to vector<16xf32>
    %select_n3A = arith.select %lt3A_15, %get3A_13, %broadcast_in_dim3A : vector<16xi1>, vector<16xf32>
    %exp3A = math.exp %select_n3A : vector<16xf32>
    %add3A_16 = arith.constant 1.000000e+00 : f32
    %add3A_17 = vector.broadcast %add3A_16 : f32 to vector<16xf32>
    %add3A_18 = arith.addf %add3A_17, %exp3A : vector<16xf32>
    %max3A = arith.constant 0.000000e+00 : f32
    %max3A_19 = vector.broadcast %max3A : f32 to vector<16xf32>
    %max3A_20 = arith.maximumf %select_n3A, %max3A_19 : vector<16xf32>
    %neg3A = arith.constant 0.000000e+00 : f32
    %neg3A_21 = vector.broadcast %neg3A : f32 to vector<16xf32>
    %neg3A_22 = arith.subf %neg3A_21, %max3A_20 : vector<16xf32>
    %exp3A_23 = math.exp %neg3A_22 : vector<16xf32>
    %mul3A_24 = arith.mulf %add3A_18, %exp3A_23 : vector<16xf32>
    %sub3A = arith.constant 1.000000e+00 : f32
    %sub3A_25 = vector.broadcast %sub3A : f32 to vector<16xf32>
    %sub3A_26 = arith.subf %mul3A_24, %sub3A_25 : vector<16xf32>
    %add3A_27 = arith.addf %max3A_20, %sub3A_26 : vector<16xf32>
    %neg3A_28 = arith.constant 0.000000e+00 : f32
    %neg3A_29 = vector.broadcast %neg3A_28 : f32 to vector<16xf32>
    %neg3A_30 = arith.subf %neg3A_29, %add3A_27 : vector<16xf32>
    %exp3A_31 = math.exp %neg3A_30 : vector<16xf32>
    %mul3A_32 = arith.mulf %add3A_18, %exp3A_31 : vector<16xf32>
    %sub3A_33 = arith.constant 1.000000e+00 : f32
    %sub3A_34 = vector.broadcast %sub3A_33 : f32 to vector<16xf32>
    %sub3A_35 = arith.subf %mul3A_32, %sub3A_34 : vector<16xf32>
    %add3A_36 = arith.addf %add3A_27, %sub3A_35 : vector<16xf32>
    %neg3A_37 = arith.constant 0.000000e+00 : f32
    %neg3A_38 = vector.broadcast %neg3A_37 : f32 to vector<16xf32>
    %neg3A_39 = arith.subf %neg3A_38, %add3A_36 : vector<16xf32>
    %exp3A_40 = math.exp %neg3A_39 : vector<16xf32>
    %mul3A_41 = arith.mulf %add3A_18, %exp3A_40 : vector<16xf32>
    %sub3A_42 = arith.constant 1.000000e+00 : f32
    %sub3A_43 = vector.broadcast %sub3A_42 : f32 to vector<16xf32>
    %sub3A_44 = arith.subf %mul3A_41, %sub3A_43 : vector<16xf32>
    %add3A_45 = arith.addf %add3A_36, %sub3A_44 : vector<16xf32>
    %neg3A_46 = arith.constant 0.000000e+00 : f32
    %neg3A_47 = vector.broadcast %neg3A_46 : f32 to vector<16xf32>
    %neg3A_48 = arith.subf %neg3A_47, %add3A_45 : vector<16xf32>
    %exp3A_49 = math.exp %neg3A_48 : vector<16xf32>
    %mul3A_50 = arith.mulf %add3A_18, %exp3A_49 : vector<16xf32>
    %sub3A_51 = arith.constant 1.000000e+00 : f32
    %sub3A_52 = vector.broadcast %sub3A_51 : f32 to vector<16xf32>
    %sub3A_53 = arith.subf %mul3A_50, %sub3A_52 : vector<16xf32>
    %add3A_54 = arith.addf %add3A_45, %sub3A_53 : vector<16xf32>
    %neg3A_55 = arith.constant 0.000000e+00 : f32
    %neg3A_56 = vector.broadcast %neg3A_55 : f32 to vector<16xf32>
    %neg3A_57 = arith.subf %neg3A_56, %add3A_54 : vector<16xf32>
    %exp3A_58 = math.exp %neg3A_57 : vector<16xf32>
    %mul3A_59 = arith.mulf %add3A_18, %exp3A_58 : vector<16xf32>
    %sub3A_60 = arith.constant 1.000000e+00 : f32
    %sub3A_61 = vector.broadcast %sub3A_60 : f32 to vector<16xf32>
    %sub3A_62 = arith.subf %mul3A_59, %sub3A_61 : vector<16xf32>
    %add3A_63 = arith.addf %add3A_54, %sub3A_62 : vector<16xf32>
    %jit3A_64 = arith.constant 0.000000e+00 : f32
    %broadcast_in_dim3A_65 = vector.broadcast %jit3A_64 : f32 to vector<16xf32>
    %select_n3A_66 = arith.select %lt3A_15, %add3A_63, %broadcast_in_dim3A_65 : vector<16xi1>, vector<16xf32>
    %swap3A = arith.constant 0 : index
    %swap3A_67 = tpu.vector_load %arg7[%swap3A] {strides = array<i32>} : memref<16xf32, #tpu.memory_space<vmem>>, vector<16xf32>,
    tpu.vector_store %arg7[%swap3A], %select_n3A_66 {strides = array<i32>} : memref<16xf32, #tpu.memory_space<vmem>>, vector<16xf32>,
    %xor3A = arith.constant 1 : i32
    %xor3A_68 = vector.broadcast %xor3A : i32 to vector<16xi32>
    %xor3A_69 = arith.xori %iota3A, %xor3A_68 : vector<16xi32>
    %gather3A = tpu.vector_load_idx %arg7[%xor3A_69] : memref<16xf32, #tpu.memory_space<vmem>>[vector<16xi32>], vector<16xf32>,
    %add3A_70 = arith.addf %select_n3A_66, %gather3A : vector<16xf32>
    %swap3A_71 = arith.constant 0 : index
    %swap3A_72 = tpu.vector_load %arg7[%swap3A_71] {strides = array<i32>} : memref<16xf32, #tpu.memory_space<vmem>>, vector<16xf32>,
    tpu.vector_store %arg7[%swap3A_71], %add3A_70 {strides = array<i32>} : memref<16xf32, #tpu.memory_space<vmem>>, vector<16xf32>,
    %xor3A_73 = arith.constant 2 : i32
    %xor3A_74 = vector.broadcast %xor3A_73 : i32 to vector<16xi32>
    %xor3A_75 = arith.xori %iota3A, %xor3A_74 : vector<16xi32>
    %gather3A_76 = tpu.vector_load_idx %arg7[%xor3A_75] : memref<16xf32, #tpu.memory_space<vmem>>[vector<16xi32>], vector<16xf32>,
    %add3A_77 = arith.addf %add3A_70, %gather3A_76 : vector<16xf32>
    %swap3A_78 = arith.constant 0 : index
    %swap3A_79 = tpu.vector_load %arg7[%swap3A_78] {strides = array<i32>} : memref<16xf32, #tpu.memory_space<vmem>>, vector<16xf32>,
    tpu.vector_store %arg7[%swap3A_78], %add3A_77 {strides = array<i32>} : memref<16xf32, #tpu.memory_space<vmem>>, vector<16xf32>,
    %xor3A_80 = arith.constant 4 : i32
    %xor3A_81 = vector.broadcast %xor3A_80 : i32 to vector<16xi32>
    %xor3A_82 = arith.xori %iota3A, %xor3A_81 : vector<16xi32>
    %gather3A_83 = tpu.vector_load_idx %arg7[%xor3A_82] : memref<16xf32, #tpu.memory_space<vmem>>[vector<16xi32>], vector<16xf32>,
    %add3A_84 = arith.addf %add3A_77, %gather3A_83 : vector<16xf32>
    %jit3A_85 = arith.constant 1.000000e+00 : f32
    %broadcast_in_dim3A_86 = vector.broadcast %jit3A_85 : f32 to vector<16xf32>
    %select_n3A_87 = arith.select %lt3A_15, %add3A_84, %broadcast_in_dim3A_86 : vector<16xi1>, vector<16xf32>
    %mul3A_88 = arith.constant 1.250000e-01 : f32
    %mul3A_89 = vector.broadcast %mul3A_88 : f32 to vector<16xf32>
    %mul3A_90 = arith.mulf %select_n3A_87, %mul3A_89 : vector<16xf32>
    %div3A = arith.divf %select_n3A_66, %mul3A_90 : vector<16xf32>
    %swap3A_91 = arith.constant 0 : index
    %swap3A_92 = tpu.vector_load %arg6[%swap3A_91] {strides = array<i32>} : memref<16xf32, #tpu.memory_space<vmem>>, vector<16xf32>,
    tpu.vector_store %arg6[%swap3A_91], %div3A {strides = array<i32>} : memref<16xf32, #tpu.memory_space<vmem>>, vector<16xf32>,
    %dma_wait3A_93 = tpu.memref_slice %arg2[%mul3A_2] : memref<16384xi32, #tpu.memory_space<hbm>> -> memref<1024xi32, #tpu.memory_space<hbm>>
    %dma_wait3A_94 = tpu.memref_slice %arg2[%mul3A_2] : memref<16384xi32, #tpu.memory_space<hbm>> -> memref<1024xi32, #tpu.memory_space<hbm>>
    tpu.wait_dma2 semaphore(%arg10 : memref<!tpu.dma_semaphore, #tpu.memory_space<semaphore_mem>>) src(%dma_wait3A_94 : memref<1024xi32, #tpu.memory_space<hbm>>) dst(%arg8 : memref<1024xi32, #tpu.memory_space<vmem>>)
    %dma_wait3A_95 = tpu.memref_slice %arg3[%mul3A_2] : memref<16384xf32, #tpu.memory_space<hbm>> -> memref<1024xf32, #tpu.memory_space<hbm>>
    %dma_wait3A_96 = tpu.memref_slice %arg3[%mul3A_2] : memref<16384xf32, #tpu.memory_space<hbm>> -> memref<1024xf32, #tpu.memory_space<hbm>>
    tpu.wait_dma2 semaphore(%arg10 : memref<!tpu.dma_semaphore, #tpu.memory_space<semaphore_mem>>) src(%dma_wait3A_96 : memref<1024xf32, #tpu.memory_space<hbm>>) dst(%arg9 : memref<1024xf32, #tpu.memory_space<vmem>>)
    %parallel_loop3A = arith.constant 0 : i32
    %parallel_loop3A_97 = arith.constant 1024 : i32
    %parallel_loop3A_98 = arith.constant 16 : i32
    scf.for %parallel_loop3A_99 = %parallel_loop3A to %parallel_loop3A_97 step %parallel_loop3A_98  : i32 {
      %parallel_loop3A_100 = arith.index_cast %parallel_loop3A_99 : i32 to index
      %parallel_loop3A_101 = tpu.vector_load %arg8[%parallel_loop3A_100] {strides = array<i32>} : memref<1024xi32, #tpu.memory_space<vmem>>, vector<16xi32>,
      %parallel_loop3A_102 = tpu.vector_load_idx %arg6[%parallel_loop3A_101] : memref<16xf32, #tpu.memory_space<vmem>>[vector<16xi32>], vector<16xf32>,
      %parallel_loop3A_103 = arith.index_cast %parallel_loop3A_99 : i32 to index
      %parallel_loop3A_104 = tpu.vector_load %arg9[%parallel_loop3A_103] {strides = array<i32>} : memref<1024xf32, #tpu.memory_space<vmem>>, vector<16xf32>,
      %parallel_loop3A_105 = arith.mulf %parallel_loop3A_104, %parallel_loop3A_102 : vector<16xf32>
      %parallel_loop3A_106 = arith.index_cast %parallel_loop3A_99 : i32 to index
      %parallel_loop3A_107 = tpu.vector_load %arg9[%parallel_loop3A_106] {strides = array<i32>} : memref<1024xf32, #tpu.memory_space<vmem>>, vector<16xf32>,
      tpu.vector_store %arg9[%parallel_loop3A_106], %parallel_loop3A_105 {strides = array<i32>} : memref<1024xf32, #tpu.memory_space<vmem>>, vector<16xf32>,
    } {sc.loop_unroll_factor = 8 : i64, sc.parallel_access}
    "tpu.region"() ({
      %run_scoped3A = tpu.sem_alloc : memref<!tpu.dma_semaphore, #tpu.memory_space<semaphore_mem>>
      %dma_start3A_99 = tpu.memref_slice %arg5[%mul3A_2] : memref<16384xf32, #tpu.memory_space<hbm>> -> memref<1024xf32, #tpu.memory_space<hbm>>
      %dma_start3A_100 = tpu.memref_slice %arg5[%mul3A_2] : memref<16384xf32, #tpu.memory_space<hbm>> -> memref<1024xf32, #tpu.memory_space<hbm>>
      tpu.enqueue_dma source(%arg9 : memref<1024xf32, #tpu.memory_space<vmem>>) target(%dma_start3A_100 : memref<1024xf32, #tpu.memory_space<hbm>>) target_semaphore(%run_scoped3A : memref<!tpu.dma_semaphore, #tpu.memory_space<semaphore_mem>>)
      %dma_wait3A_101 = tpu.memref_slice %arg5[%mul3A_2] : memref<16384xf32, #tpu.memory_space<hbm>> -> memref<1024xf32, #tpu.memory_space<hbm>>
      %dma_wait3A_102 = tpu.memref_slice %arg5[%mul3A_2] : memref<16384xf32, #tpu.memory_space<hbm>> -> memref<1024xf32, #tpu.memory_space<hbm>>
      tpu.wait_dma2 semaphore(%run_scoped3A : memref<!tpu.dma_semaphore, #tpu.memory_space<semaphore_mem>>) src(%arg9 : memref<1024xf32, #tpu.memory_space<vmem>>) dst(%dma_wait3A_102 : memref<1024xf32, #tpu.memory_space<hbm>>)
      tpu.yield
    }) : () -> ()
    return
  }
}

</mosaic_0001>

<sc_bundles>
// kernel: kernel.3.cloned.1.call-start
scs
__scs_entry_jumppad:
0x0: {  	(pc) =	sbr.rel $0x88, $3  }
0x1: {  	(tag) =	ssettag $0x0;
	lr =	simm.s32 $0x1  }
0x2: {  	[smem:$0x3F9E] =	sst lr;
	_ =	strace $0xD0000000  }
0x3: {  	_ = 	snop  }
0x4: {  	_ = 	snop  }
0x5: {  	_ = 	snop  }
0x6: {  	_ = 	snop  }
0x7: {  	_ = 	snop  }
__scs_overlays_trampoline_lowered:
0x8: {  	[smem:$0x3FAD] =	sst s0  }
0x9: {  	[smem:$0x3FAE] =	sst s1  }
0xa: {  	[smem:$0x3FAF] =	sst s2  }
0xb: {  	[smem:$0x3FB0] =	sst s3  }
0xc: {  	[smem:$0x3FB1] =	sst s4  }
0xd: {  	[smem:$0x3FB2] =	sst s5  }
0xe: {  	[smem:$0x3FB3] =	sst s6  }
0xf: {  	[smem:$0x3FB4] =	sst s7  }
0x10: {  	[smem:$0x3FB5] =	sst s8  }
0x11: {  	[smem:$0x3FB6] =	sst s9;
	s0 =	simm.s32 @!p0 $0x0  }
0x12: {  	s1 =	sld [smem:$0x3F9C];
	s0 =	simm.s32 @p0 $0x1  }
0x13: {  	[smem:$0x3FB7] =	sst s0;
	s0 =	simm.s32 @!p1 $0x0  }
0x14: {  	s2 =	sld [smem:$0x3F9B];
	s0 =	simm.s32 @p1 $0x1  }
0x15: {  	[smem:$0x3FB8] =	sst s0;
	s0 =	simm.s32 @!p2 $0x0  }
0x16: {  	s3 =	sld [smem:$0x3FDB];
	s0 =	simm.s32 @p2 $0x1  }
0x17: {  	s4 =	simm.s32 $0x1BF5;
	[smem:$0x3FBA] =	sst s0  }
0x18: {  	s0 =	sld [smem:$0x3F9D];
	_ =	swait.ge [sflag:s4], $0x0  }
0x19: {  	s7 =	sld [smem:$0x3F9E]  }
0x1a: {  	s8 =	sadd.s32 $0xFFFFE003, lr  }
0x1b: {  	s9 =	sadd.s32 $0xFFFFFEF7, lr;
	s5 =	simm.s32 $0xFFFFFFFF;
	p2 =	slt.u32 s8, $0xFFFFF086  }
0x1c: {  	p1 =	slt.u32 s9, $0xF7A;
	s5 =	simm.s32 @!p2 $0x0  }
0x1d: {  	s5 =	simm.s32 @p1 $0x1;
	p0 =	seq.s32 s7, s2  }
0x1e: {  	s7 =	smul.u32 @!p0 $0xF7A, s2;
	p2 =	seq.s32 @!p0 s5, $0x0  }
0x1f: {  	s9 =	smul.u32 $0xF7A, s1;
	s8 =	simm.s32 @!p0 $0x1BF5;
	p2 =	por !p2, p0  }
0x20: {  	[sflag:s8] =	ssyncset.s32 @!p0 $0xFFFFF086;
	s6 =	sadd.s32 @!p0 s3, s7;
	s7 =	simm.s32 @!p0 $0x108  }
0x21: {  	s3 =	sadd.s32 s3, s9;
	s6 =	sadd.s32 @!p0 $0x88, s6;
	s7 =	simm.s32 @p2 $0x1082  }
0x22: {  	[simem:s7], [sflag:s8] =	dma.local @!p0 [hbm:s6], $0xF7A  }
0x23: {  	s9 =	sor.u32 $0xD0000000, s2;
	s6 =	simm.s32 $0x108;
	_ =	swait.ge @!p0 [sflag:s8], $0x0  }
0x24: {  	s3 =	sadd.s32 $0x88, s3;
	s6 =	simm.s32 @!p1 $0x1082;
	[sflag:s4] =	ssyncset.s32 $0xFFFFF086  }
0x25: {  	[simem:s6], [sflag:s4] =	dma.local [hbm:s3], $0xF7A  }
0x26: {  	[smem:$0x3F9E] =	sst s1;
	(tag) =	ssettag s2;
	_ =	strace s9  }
0x27: {  	s1 =	sld [smem:$0x3FAE]  }
0x28: {  	s2 =	sld [smem:$0x3FAF]  }
0x29: {  	s4 =	sld [smem:$0x3FB1]  }
0x2a: {  	p0 =	seq.s32 s5, $0x0;
	s5 =	sld [smem:$0x3FB2]  }
0x2b: {  	s6 =	sld [smem:$0x3FB3]  }
0x2c: {  	s7 =	sld [smem:$0x3FB4]  }
0x2d: {  	s3 =	simm.s32 $0x108;
	s8 =	sld [smem:$0x3FB5]  }
0x2e: {  	s3 =	simm.s32 @!p0 $0x1082;
	s9 =	sld [smem:$0x3FB6]  }
0x2f: {  	lr =	sadd.s32 s0, s3;
	s0 =	sld [smem:$0x3FAD]  }
0x30: {  	s3 =	sld [smem:$0x3FB0]  }
0x31: {  	[smem:$0x3FB9] =	sst s10  }
0x32: {  	s10 =	sld [smem:$0x3FB7];
	_ =	sdelay $0x3  }
0x33: {  	p0 =	seq.s32 s10, $0x1;
	s10 =	sld [smem:$0x3FB9];
	_ =	sdelay $0x3  }
0x34: {  	[smem:$0x3FB9] =	sst s10  }
0x35: {  	s10 =	sld [smem:$0x3FB8];
	_ =	sdelay $0x3  }
0x36: {  	p1 =	seq.s32 s10, $0x1;
	s10 =	sld [smem:$0x3FB9];
	_ =	sdelay $0x3  }
0x37: {  	[smem:$0x3FB9] =	sst s10  }
0x38: {  	s10 =	sld [smem:$0x3FBA]  }
0x39: {  	_ = 	snop;
	(pc) =	sbr.ind lr, $3  }
0x3a: {  	_ = 	snop  }
0x3b: {  	_ = 	snop  }
0x3c: {  	p2 =	seq.s32 s10, $0x1;
	s10 =	sld [smem:$0x3FB9]  }
0x3d: {  	_ =	shalt  }
0x3e: {  	_ =	shalt  }
0x3f: {  	_ =	shalt  }
0x40: {  	_ =	shalt  }
0x41: {  	_ =	shalt  }
0x42: {  	_ =	shalt  }
0x43: {  	_ =	shalt  }
0x44: {  	_ =	shalt  }
0x45: {  	_ =	shalt  }
0x46: {  	_ =	shalt  }
0x47: {  	_ =	shalt  }
0x48: {  	_ =	shalt  }
0x49: {  	_ =	shalt  }
0x4a: {  	_ =	shalt  }
0x4b: {  	_ =	shalt  }
0x4c: {  	_ =	shalt  }
0x4d: {  	_ =	shalt  }
0x4e: {  	_ =	shalt  }
0x4f: {  	_ =	shalt  }
0x50: {  	_ =	shalt  }
0x51: {  	_ =	shalt  }
0x52: {  	_ =	shalt  }
0x53: {  	_ =	shalt  }
0x54: {  	_ =	shalt  }
0x55: {  	_ =	shalt  }
0x56: {  	_ =	shalt  }
0x57: {  	_ =	shalt  }
0x58: {  	_ =	shalt  }
0x59: {  	_ =	shalt  }
0x5a: {  	_ =	shalt  }
0x5b: {  	_ =	shalt  }
0x5c: {  	_ =	shalt  }
0x5d: {  	_ =	shalt  }
0x5e: {  	_ =	shalt  }
0x5f: {  	_ =	shalt  }
0x60: {  	_ =	shalt  }
0x61: {  	_ =	shalt  }
0x62: {  	_ =	shalt  }
0x63: {  	_ =	shalt  }
0x64: {  	_ =	shalt  }
0x65: {  	_ =	shalt  }
0x66: {  	_ =	shalt  }
0x67: {  	_ =	shalt  }
0x68: {  	_ =	shalt  }
0x69: {  	_ =	shalt  }
0x6a: {  	_ =	shalt  }
0x6b: {  	_ =	shalt  }
0x6c: {  	_ =	shalt  }
0x6d: {  	_ =	shalt  }
0x6e: {  	_ =	shalt  }
0x6f: {  	_ =	shalt  }
0x70: {  	_ =	shalt  }
0x71: {  	_ =	shalt  }
0x72: {  	_ =	shalt  }
0x73: {  	_ =	shalt  }
0x74: {  	_ =	shalt  }
0x75: {  	_ =	shalt  }
0x76: {  	_ =	shalt  }
0x77: {  	_ =	shalt  }
0x78: {  	_ =	shalt  }
0x79: {  	_ =	shalt  }
0x7a: {  	_ =	shalt  }
0x7b: {  	_ =	shalt  }
0x7c: {  	_ =	shalt  }
0x7d: {  	_ =	shalt  }
0x7e: {  	_ =	shalt  }
0x7f: {  	_ =	shalt  }
0x80: {  	_ =	shalt  }
0x81: {  	_ =	shalt  }
0x82: {  	_ =	shalt  }
0x83: {  	_ =	shalt  }
0x84: {  	_ =	shalt  }
0x85: {  	_ =	shalt  }
0x86: {  	_ =	shalt  }
0x87: {  	_ =	shalt  }
.Lfunc_end0:
.L_simem_size_0:
called_computation_lowered:
.L_overlay_start_0:
0x88: {  	s0 =	sld [smem:$0x3FD9]  }
0x89: {  	s1 =	sld [smem:$0x3FFE];
	_ =	sdelay $0x3  }
0x8a: {  	s0 =	sadd.s32 s1, s0  }
0x8b: {  	[smem:$0x3FC5] =	sst s0  }
0x8c: {  	_ = 	snop  }
0x8d: {  	s0 =	sld [smem:$0x3FC9]  }
0x8e: {  	s17 =	sld [smem:$0x3FC8]  }
0x8f: {  	s2 =	sld [smem:$0x3FC7]  }
0x90: {  	s3 =	sld [smem:$0x3FD0];
	(tm) =	ssettm $0x1  }
0x91: {  	s4 =	sld [smem:$0x3FFB];
	_ =	sdelay $0x3  }
0x92: {  	_ =	strace s4  }
0x93: {  	s4 =	sld [smem:$0x3FFC];
	_ =	sdelay $0x3  }
0x94: {  	_ =	strace s4  }
0x95: {  	s4 =	sld [smem:$0x3FFD];
	_ =	sdelay $0x3  }
0x96: {  	_ =	strace s4  }
0x97: {  	_ =	strace $0x8FFFFFFF  }
0x98: {  	s18 =	sld [smem:$0x3FDB];
	_ =	sdelay $0x1  }
0x99: {  	s5 =	simm.s32 $_scs_section_size  }
0x9a: {  	s6 =	simm.s32 $_size__tile_overlayer_lowered;
	s7 =	simm.s32 $_tile_overlayer_lowered  }
0x9b: {  	s21 =	simm.s32 $0x1BFF;
	s20 =	sshll.u32 s7, $0x1;
	s4 =	sadd.s32 s5, s18  }
0x9c: {  	s8 =	simm.s32 $0x0;
	s19 =	sshll.u32 s6, $0x1;
	s6 =	sadd.s32 s20, s4  }
0x9d: {  	[timem:s8], [sflag:s21] =	dma.local [hbm:s6], s19  }
0x9e: {  	_ =	swait.ge [sflag:s21], s19  }
0x9f: {  	s5 =	ssub.s32 $0x0, s19;
	[sflag:s21] =	ssyncset.done $0x0  }
0xa0: {  	[sflag:s21] =	ssyncadd.s32 s5;
	_ =	sdelay $0x1  }
0xa1: {  	s22 =	simm.s32 $0x1B8B  }
0xa2: {  	_ =	swait.ge [sflag:s22], $0x1  }
0xa3: {  	[sflag:s22] =	ssyncset.done $0x0  }
0xa4: {  	s23 =	simm.s32 $0x1B8E;
	[sflag:s22] =	ssyncadd.s32 $0xFFFFFFFF  }
0xa5: {  	s24 =	simm.s32 $execute0_lowered;
	[smem:$0x3FD2] =	sst s23  }
0xa6: {  	s5 =	sshll.u32 s24, $0x1;
	_ =	strace $0x80000046;
	[dreg:$0x1] =	wrdreg $0xFFFFFFFF  }
0xa7: {  	s25 =	simm.s32 $_size_execute0_lowered;
	s4 =	sadd.s32 s4, s5;
	[dreg:$0x0] =	wrdreg $0x0  }
0xa8: {  	s5 =	sshll.u32 s25, $0x1;
	[dreg:$0x2] =	wrdreg s4  }
0xa9: {  	[dreg:$0x3] =	wrdreg s5  }
0xaa: {  	[dreg:$0x4] =	wrdreg $0xC0  }
0xab: {  	_ =	task [dreg:s8], $0x5FFFF  }
0xac: {  	[dreg:$0x1] =	wrdreg $0xFFFFFFFF  }
0xad: {  	[dreg:$0x0] =	wrdreg $0x60  }
0xae: {  	[dreg:$0x2] =	wrdreg s0  }
0xaf: {  	[dreg:$0x3] =	wrdreg s17  }
0xb0: {  	[dreg:$0x4] =	wrdreg s2  }
0xb1: {  	[dreg:$0x5] =	wrdreg s3  }
0xb2: {  	[dreg:$0x6] =	wrdreg $0x9  }
0xb3: {  	_ =	task.clear_ibuf [dreg:s8], $0x7FFFF;
	_ =	strace $0x90000046  }
0xb4: {  	s26 =	simm.s32 $0x9;
	_ =	strace $0x80000048  }
0xb5: {  	_ =	swait.ge [sflag:s26], $0x1  }
0xb6: {  	[sflag:s26] =	ssyncadd.s32 $0xFFFFFFFF  }
0xb7: {  	_ =	strace $0x90000048  }
0xb8: {  	_ =	sfence  }
0xb9: {  	s28 =	sld [smem:$0x0];
	_ =	sdelay $0x1  }
0xba: {  	s29 =	srdreg.scid  }
0xbb: {  	s30 =	sshll.u32 s29, $0xD;
	s31 =	sshrl.u32 s29, $0x2  }
0xbc: {  	s1 =	sand.u32 $0x1, s29;
	s2 =	sand.u32 $0x4000, s30;
	s0 =	sadd.s32 s31, s28  }
0xbd: {  	s1 =	sor.u32 s2, s1;
	s0 =	sshll.u32 s0, $0x11  }
0xbe: {  	s0 =	sor.u32 s0, s1  }
0xbf: {  	s0 =	sadd.s32 $0x8F2B, s0  }
0xc0: {  	[sflag:s0] =	ssyncadd.remote.s32 $0x1  }
0xc1: {  	_ =	sfence.sel $0xFFFF  }
0xc2: {  	[dreg:$0x0] =	wrdreg $0xFFFFFFFF;
	(pc) =	sbr.abs _section_cstart, $3  }
0xc3: {  	[dreg:$0x1] =	wrdreg $0xFFFFFFFF  }
0xc4: {  	_ =	task.clear_ibuf [dreg:s8], $0x2FFFF;
	_ =	strace $0x9FFFFFFF  }
0xc5: {  	(tm) =	ssettm $0x7FFFFFFF  }
tec
execute0_lowered:
.L_overlay_start_1:
0x0: {  	(tag) =	ssettag $0x1  }
0x1: {  	s5 =	rddreg [dreg:$0x0]  }
0x2: {  	s6 =	rddreg [dreg:$0x1]  }
0x3: {  	s7 =	rddreg [dreg:$0x2]  }
0x4: {  	s2 =	rddreg [dreg:$0x3];
	s4 =	simm.s32 $0x0  }
0x5: {  	s1 =	stileid.u32;
	[smem:$0x7FF] =	sst s4  }
0x6: {  	s0 =	rddreg [dreg:$0x4];
	s3 =	sshll.u32 s1, $0x7;
	_ =	strace $0x80000047  }
0x7: {  	[tilespmem:s4], [sflag:$0x1] =	stream.linear.gather [hbm4b:s7+s4], $0x8, $0x38;
	[tilespmem:$0x900] =	vst v63  }
0x8: {  	s25 =	simm.s32 $0x100;
	s5 =	sadd.s32 s5, s3  }
0x9: {  	[tilespmem:s25], [sflag:$0x1] =	stream.linear.gather [hbm4b:s5+s4], $0x400, $0x38;
	[tilespmem:$0x900] =	vst v63  }
0xa: {  	s28 =	simm.s32 $0x500;
	s29 =	simm.s32 $0x1;
	s26 =	sadd.s32 s6, s3  }
0xb: {  	[tilespmem:s28], [sflag:$0x1] =	stream.linear.gather [hbm4b:s26+s4], $0x400, $0x38;
	[tilespmem:$0x900] =	vst v63  }
0xc: {  	_ =	swait.ge [sflag:s29], $0x8  }
0xd: {  	[sflag:s29] =	ssyncset.done $0x0  }
0xe: {  	[sflag:s29] =	ssyncadd.s32 $0xFFFFFFF8  }
0xf: {  	v0 =	vld [tilespmem:$0x0];
	_ =	sdelay $0x3  }
0x10: {  	vm0 =	vmmov $0xff  }
0x11: {  	v0 =	vnsel vm0, $0x0, v0  }
0x12: {  	v1 =	vmax.f32 v0, $0.0e+00  }
0x13: {  	v0 =	vmul.f32 $1.442695020e+00, v0;
	v2 =	vsub.f32 $0.0e+00, v1;
	_ =	sdelay $0x1  }
0x14: {  	(erf) = vpow2.f32 v0;
	v0 =	vmul.f32 $1.442695020e+00, v2;
	_ =	sdelay $0x1  }
0x15: {  	(erf) = vpow2.f32 v0;
	_ =	sdelay $0x6  }
0x16: {  	v0 =	vpop (erf)  }
0x17: {  	v0 =	vadd.f32 $1.000000000e+00, v0  }
0x18: {  	v2 =	vpop (erf)  }
0x19: {  	v2 =	vmul.f32 v2, v0;
	_ =	sdelay $0x1  }
0x1a: {  	v2 =	vadd.f32 $-1.000000000e+00, v2;
	_ =	sdelay $0x1  }
0x1b: {  	v1 =	vadd.f32 v2, v1;
	_ =	sdelay $0x1  }
0x1c: {  	v2 =	vsub.f32 $0.0e+00, v1;
	_ =	sdelay $0x1  }
0x1d: {  	v2 =	vmul.f32 $1.442695020e+00, v2;
	_ =	sdelay $0x1  }
0x1e: {  	(erf) = vpow2.f32 v2;
	_ =	sdelay $0x8  }
0x1f: {  	v2 =	vpop (erf)  }
0x20: {  	v2 =	vmul.f32 v2, v0;
	_ =	sdelay $0x1  }
0x21: {  	v2 =	vadd.f32 $-1.000000000e+00, v2;
	_ =	sdelay $0x1  }
0x22: {  	v1 =	vadd.f32 v2, v1;
	_ =	sdelay $0x1  }
0x23: {  	v2 =	vsub.f32 $0.0e+00, v1;
	_ =	sdelay $0x1  }
0x24: {  	v2 =	vmul.f32 $1.442695020e+00, v2;
	_ =	sdelay $0x1  }
0x25: {  	(erf) = vpow2.f32 v2;
	_ =	sdelay $0x8  }
0x26: {  	v2 =	vpop (erf)  }
0x27: {  	v2 =	vmul.f32 v2, v0;
	_ =	sdelay $0x1  }
0x28: {  	v2 =	vadd.f32 $-1.000000000e+00, v2;
	_ =	sdelay $0x1  }
0x29: {  	v1 =	vadd.f32 v2, v1;
	_ =	sdelay $0x1  }
0x2a: {  	v2 =	vsub.f32 $0.0e+00, v1;
	_ =	sdelay $0x1  }
0x2b: {  	v2 =	vmul.f32 $1.442695020e+00, v2;
	_ =	sdelay $0x1  }
0x2c: {  	(erf) = vpow2.f32 v2;
	_ =	sdelay $0x8  }
0x2d: {  	v2 =	vpop (erf)  }
0x2e: {  	v2 =	vmul.f32 v2, v0;
	_ =	sdelay $0x1  }
0x2f: {  	v2 =	vadd.f32 $-1.000000000e+00, v2;
	_ =	sdelay $0x1  }
0x30: {  	v1 =	vadd.f32 v2, v1;
	_ =	sdelay $0x1  }
0x31: {  	v2 =	vsub.f32 $0.0e+00, v1;
	_ =	sdelay $0x1  }
0x32: {  	v2 =	vmul.f32 $1.442695020e+00, v2;
	_ =	sdelay $0x1  }
0x33: {  	(erf) = vpow2.f32 v2;
	_ =	sdelay $0x5  }
0x34: {  	v3 =	vimm.s32 $0x67452301;
	v2 =	vimm.s32 $0xEFCDAB89  }
0x35: {  	v3 =	vunpack.c.l.s4.s8 v3;
	v2 =	vunpack.c.l.s4.s8 v2;
	_ =	sdelay $0x1  }
0x36: {  	v3 =	vunpack.c.0.s8.s32 v3;
	v2 =	vunpack.c.0.s8.s32 v2;
	v4 =	vpop (erf)  }
0x37: {  	v0 =	vmul.f32 v4, v0  }
0x38: {  	v2 =	vcombine.low v3, v2  }
0x39: {  	v0 =	vadd.f32 $-1.000000000e+00, v0  }
0x3a: {  	v2 =	vand.u32 $0xF, v2  }
0x3b: {  	v3 =	vimm.s32 $0x54761032;
	v0 =	vadd.f32 v0, v1;
	v1 =	vimm.s32 $0xDCFE98BA  }
0x3c: {  	v3 =	vunpack.c.l.s4.s8 v3;
	v1 =	vunpack.c.l.s4.s8 v1  }
0x3d: {  	v0 =	vnsel vm0, $0x0, v0  }
0x3e: {  	s30 =	simm.s32 $0x80;
	v3 =	vunpack.c.0.s8.s32 v3;
	[tilespmem:$0x80] =	vst v0;
	v1 =	vunpack.c.0.s8.s32 v1  }
0x3f: {  	v2 =	vld.idx.msk [tilespmem:v2+s30+$0x0], $0xffff  }
0x40: {  	v1 =	vcombine.low v3, v1;
	_ =	sdelay $0x1  }
0x41: {  	v1 =	vand.u32 $0xF, v1  }
0x42: {  	v4 =	vimm.s32 $0x32107654;
	v3 =	vimm.s32 $0xBA98FEDC  }
0x43: {  	v4 =	vunpack.c.l.s4.s8 v4;
	v3 =	vunpack.c.l.s4.s8 v3;
	v2 =	vadd.f32 v0, v2;
	_ =	sdelay $0x1  }
0x44: {  	v4 =	vunpack.c.0.s8.s32 v4;
	v3 =	vunpack.c.0.s8.s32 v3;
	[tilespmem:$0x80] =	vst v2  }
0x45: {  	v1 =	vld.idx.msk [tilespmem:v1+s30+$0x0], $0xffff  }
0x46: {  	v3 =	vcombine.low v4, v3;
	_ =	sdelay $0x1  }
0x47: {  	v3 =	vand.u32 $0xF, v3;
	_ =	sdelay $0x1  }
0x48: {  	v1 =	vadd.f32 v2, v1;
	_ =	sdelay $0x1  }
0x49: {  	[tilespmem:$0x80] =	vst v1  }
0x4a: {  	v2 =	vld.idx.msk [tilespmem:v3+s30+$0x0], $0xffff;
	_ =	sdelay $0x4  }
0x4b: {  	v1 =	vadd.f32 v1, v2;
	_ =	sdelay $0x1  }
0x4c: {  	v1 =	vnsel vm0, $0x3F800000, v1  }
0x4d: {  	v1 =	vmul.f32 $1.250000000e-01, v1;
	_ =	sdelay $0x1  }
0x4e: {  	(erf) = vrcp.f32 v1;
	_ =	sdelay $0x8  }
0x4f: {  	v1 =	vpop (erf)  }
0x50: {  	v0 =	vmul.f32 v1, v0;
	_ =	sdelay $0x1  }
0x51: {  	[tilespmem:$0x0] =	vst v0  }
0x52: {  	_ =	swait.ge [sflag:s29], $0x400  }
0x53: {  	[sflag:s29] =	ssyncset.done $0x0  }
0x54: {  	[sflag:s29] =	ssyncadd.s32 $0xFFFFFC00  }
0x55: {  	_ =	swait.ge [sflag:s29], $0x400  }
0x56: {  	[sflag:s29] =	ssyncset.done $0x0  }
0x57: {  	s31 =	simm.s32 $0x140;
	[sflag:s29] =	ssyncadd.s32 $0xFFFFFC00  }
0x58: {  	v0 =	vld [tilespmem:s31+$0x30]  }
0x59: {  	v1 =	vld [tilespmem:s31+$0xFFFFFFD0]  }
0x5a: {  	v2 =	vld [tilespmem:s31+$0xFFFFFFE0]  }
0x5b: {  	v3 =	vld [tilespmem:s31+$0xFFFFFFF0]  }
0x5c: {  	v5 =	vld [tilespmem:s31+$0x0]  }
0x5d: {  	v6 =	vld [tilespmem:s31+$0x10]  }
0x5e: {  	v7 =	vld [tilespmem:s31+$0x20]  }
0x5f: {  	s5 =	simm.s32 $0x540;
	v8 =	vld [tilespmem:s31+$0xFFFFFFC0]  }
0x60: {  	v11 =	vld [tilespmem:s5+$0x30]  }
0x61: {  	v14 =	vld [tilespmem:s5+$0xFFFFFFD0]  }
0x62: {  	v9 =	vld [tilespmem:s5+$0xFFFFFFE0]  }
0x63: {  	v10 =	vld.idx.msk [tilespmem:v0+s4+$0x0], $0xffff  }
0x64: {  	v12 =	vld.idx.msk [tilespmem:v1+s4+$0x0], $0xffff  }
0x65: {  	v4 =	vld.idx.msk [tilespmem:v2+s4+$0x0], $0xffff  }
0x66: {  	v3 =	vld.idx.msk [tilespmem:v3+s4+$0x0], $0xffff  }
0x67: {  	v13 =	vld.idx.msk [tilespmem:v8+s4+$0x0], $0xffff  }
0x68: {  	v1 =	vld.idx.msk [tilespmem:v7+s4+$0x0], $0xffff  }
0x69: {  	v7 =	vld [tilespmem:s5+$0xFFFFFFC0]  }
0x6a: {  	v2 =	vld.idx.msk [tilespmem:v5+s4+$0x0], $0xffff  }
0x6b: {  	v0 =	vld.idx.msk [tilespmem:v6+s4+$0x0], $0xffff  }
0x6c: {  	v8 =	vld [tilespmem:s5+$0xFFFFFFF0]  }
0x6d: {  	v6 =	vld [tilespmem:s5+$0x0];
	v10 =	vmul.f32 v11, v10  }
0x6e: {  	v5 =	vld [tilespmem:s5+$0x10];
	v11 =	vmul.f32 v7, v13  }
0x6f: {  	s6 =	simm.s32 $0x0;
	s7 =	simm.s32 $0x1C0;
	v7 =	vld [tilespmem:s5+$0x20];
	[tilespmem:s5+$0x30] =	vst v10;
	v10 =	vmul.f32 v14, v12  }
.LBB2_1:
0x70: {  	v12 =	vld [tilespmem:s7+$0x30];
	s6 =	sadd.s32 $0x80, s6;
	[tilespmem:s5+$0xFFFFFFC0] =	vst v11;
	v4 =	vmul.f32 v9, v4  }
0x71: {  	v9 =	vld [tilespmem:s7+$0xFFFFFFD0];
	p0 =	slt.u32 s6, $0x380;
	[tilespmem:s5+$0xFFFFFFD0] =	vst v10;
	v3 =	vmul.f32 v8, v3  }
0x72: {  	v8 =	vld [tilespmem:s7+$0xFFFFFFE0];
	[tilespmem:s5+$0xFFFFFFE0] =	vst v4;
	v2 =	vmul.f32 v6, v2  }
0x73: {  	v6 =	vld [tilespmem:s7+$0xFFFFFFF0];
	[tilespmem:s5+$0xFFFFFFF0] =	vst v3;
	v0 =	vmul.f32 v5, v0  }
0x74: {  	v5 =	vld [tilespmem:s7+$0x0];
	[tilespmem:s5+$0x0] =	vst v2;
	v1 =	vmul.f32 v7, v1  }
0x75: {  	v7 =	vld [tilespmem:s7+$0x10];
	[tilespmem:s5+$0x10] =	vst v0  }
0x76: {  	v10 =	vld [tilespmem:s7+$0x20];
	[tilespmem:s5+$0x20] =	vst v1  }
0x77: {  	v1 =	vld [tilespmem:s7+$0xFFFFFFC0]  }
0x78: {  	s5 =	sadd.s32 $0x80, s5;
	v11 =	vld.idx.msk [tilespmem:v12+s4+$0x0], $0xffff  }
0x79: {  	v12 =	vld [tilespmem:s5+$0x30]  }
0x7a: {  	v13 =	vld.idx.msk [tilespmem:v9+s4+$0x0], $0xffff  }
0x7b: {  	v4 =	vld.idx.msk [tilespmem:v8+s4+$0x0], $0xffff  }
0x7c: {  	v3 =	vld.idx.msk [tilespmem:v6+s4+$0x0], $0xffff  }
0x7d: {  	v2 =	vld.idx.msk [tilespmem:v5+s4+$0x0], $0xffff  }
0x7e: {  	v0 =	vld.idx.msk [tilespmem:v7+s4+$0x0], $0xffff;
	v5 =	vmul.f32 v12, v11  }
0x7f: {  	v7 =	vld.idx.msk [tilespmem:v1+s4+$0x0], $0xffff  }
0x80: {  	v1 =	vld.idx.msk [tilespmem:v10+s4+$0x0], $0xffff;
	[tilespmem:s5+$0x30] =	vst v5  }
0x81: {  	v5 =	vld [tilespmem:s5+$0xFFFFFFC0]  }
0x82: {  	v10 =	vld [tilespmem:s5+$0xFFFFFFD0]  }
.Ltmp0:
0x83: {  	v9 =	vld [tilespmem:s5+$0xFFFFFFE0];
	(pc) =	sbr.rel @p0 .LBB2_1-.Ltmp0, $4  }
0x84: {  	v8 =	vld [tilespmem:s5+$0xFFFFFFF0]  }
0x85: {  	v6 =	vld [tilespmem:s5+$0x0]  }
0x86: {  	v11 =	vmul.f32 v5, v7;
	v5 =	vld [tilespmem:s5+$0x10]  }
0x87: {  	s7 =	sadd.s32 $0x80, s7;
	v10 =	vmul.f32 v10, v13;
	v7 =	vld [tilespmem:s5+$0x20]  }
0x88: {  	[tilespmem:s5+$0xFFFFFFC0] =	vst v11;
	v4 =	vmul.f32 v9, v4  }
0x89: {  	[tilespmem:s5+$0xFFFFFFD0] =	vst v10;
	v3 =	vmul.f32 v8, v3  }
0x8a: {  	[tilespmem:s5+$0xFFFFFFE0] =	vst v4;
	v2 =	vmul.f32 v6, v2  }
0x8b: {  	[tilespmem:s5+$0xFFFFFFF0] =	vst v3;
	v0 =	vmul.f32 v5, v0  }
0x8c: {  	[tilespmem:s5+$0x0] =	vst v2;
	v1 =	vmul.f32 v7, v1  }
0x8d: {  	s2 =	sadd.s32 s2, s3;
	[tilespmem:s5+$0x10] =	vst v0  }
0x8e: {  	s30 =	simm.s32 $0x0;
	s4 =	simm.s32 $0x500;
	s31 =	simm.s32 $0x2;
	[tilespmem:s5+$0x20] =	vst v1  }
0x8f: {  	[hbm4b:s2+s30] =	stream.linear.scatter [tilespmem:s4], [sflag:$0x2], $0x400, $0x38;
	[tilespmem:$0x900] =	vst v63  }
0x90: {  	_ =	swait.ge [sflag:s31], $0x400  }
0x91: {  	[sflag:s31] =	ssyncset.done $0x0  }
0x92: {  	[sflag:s31] =	ssyncadd.s32 $0xFFFFFC00  }
0x93: {  	_ =	sfence.sel $0x180000  }
0x94: {  	[bflag:$0x0] =	sbarrier.arrive $0xFFFF  }
0x95: {  	p0 =	sne.s32 s1, $0x0;
	_ =	strace $0x90000047  }
0x96: {  	s0 =	sadd.s32 @!p0 $0x100000, s0;
	[bflag:$0x2] =	sbarrier.arrive $0xFFFF  }
0x97: {  	[sflag:s0] =	ssyncadd.tile.s32 @!p0 $0x1;
	_ =	shalt  }
.Lfunc_end2:
_tile_overlayer_lowered:
.L_overlay_start_2:
0x98: {  	(tag) =	ssettag $0x2  }
0x99: {  	s0 =	rddreg [dreg:$0x0];
	s2 =	stileid.u32  }
0x9a: {  	s1 =	rddreg [dreg:$0x1];
	p0 =	sne.s32 s2, $0x0  }
0x9b: {  	s3 =	rddreg [dreg:$0x2];
	[bflag:$0x3] =	sbarrier.arrive $0xFFFF;
	s2 =	simm.s32 @!p0 $0x1C02  }
0x9c: {  	[timem:s3], [sflag:s2] =	dma.local @!p0 [hbm:s0], s1  }
0x9d: {  	s0 =	simm.s32 @!p0 $0x2  }
0x9e: {  	_ =	swait.ge @!p0 [sflag:s0], s1  }
0x9f: {  	s1 =	ssub.s32 @!p0 $0x0, s1;
	[sflag:s0] =	ssyncset.done @!p0 $0x0  }
0xa0: {  	[sflag:s0] =	ssyncadd.s32 @!p0 s1  }
0xa1: {  	[bflag:$0x3] =	sbarrier.arrive $0xFFFF  }
0xa2: {  	_ =	shalt  }

</sc_bundles>
